<compile_context>
chip_gen: v7x
topology: tpu7x:2x2x1
jax: 0.10.2.dev20260603
libtpu: 0.0.44.dev20260713+nightly
codegen_flags: <defaults>
</compile_context>

<pallas_src>
import functools

import jax
import jax.numpy as jnp
from jax import lax
from jax.experimental import pallas as pl
from jax.experimental.pallas import tpu as pltpu, tpu_sc as plsc

_B = 16384
_N_LOC = 128
_N_GROUPS = 16
_L = 16

_info = plsc.get_sparse_core_info()
_NC, _NS = _info.num_cores, _info.num_subcores
_NW = _NC * _NS
_BPW = _B // _NW


@functools.partial(
    pl.kernel,
    out_type=jax.ShapeDtypeStruct((_B,), jnp.float32),
    mesh=plsc.VectorSubcoreMesh(core_axis_name="c", subcore_axis_name="s"),
    compiler_params=pltpu.CompilerParams(needs_layout_passes=False),
    scratch_types=[
        pltpu.VMEM((_N_GROUPS,), jnp.float32),
        pltpu.VMEM((_N_LOC,), jnp.int32),
        pltpu.VMEM((_N_LOC,), jnp.float32),
        pltpu.VMEM((_BPW,), jnp.int32),
        pltpu.VMEM((_BPW,), jnp.float32),
    ],
)
def _lookup(params_hbm, loc_hbm, l2g_hbm, out_hbm,
            params_v, l2g_v, table_v, loc_v, out_v):
    wid = lax.axis_index("s") * _NC + lax.axis_index("c")
    base = wid * _BPW
    pltpu.sync_copy(params_hbm, params_v)
    pltpu.sync_copy(l2g_hbm, l2g_v)
    pltpu.sync_copy(loc_hbm.at[pl.ds(base, _BPW)], loc_v)
    for i in range(_N_LOC // _L):
        g = l2g_v[pl.ds(i * _L, _L)]
        table_v[pl.ds(i * _L, _L)] = plsc.load_gather(params_v, [g])
    for j in range(_BPW // _L):
        idx = loc_v[pl.ds(j * _L, _L)]
        out_v[pl.ds(j * _L, _L)] = plsc.load_gather(table_v, [idx])
    pltpu.sync_copy(out_v, out_hbm.at[pl.ds(base, _BPW)])


def kernel(params, location, loc_to_group):
    out = _lookup(params.astype(jnp.float32),
                  location.astype(jnp.int32),
                  loc_to_group.astype(jnp.int32))
    return out.reshape(-1, 1)

# --- scband reference (transcript-rebuilt; emitter-appended) ---
"""Pipeline reference for scband-parameter-mapping-1047972020824 (READ-ONLY COPY).

The authoritative reference and input builder live on the scoring server;
editing this copy changes nothing except your own understanding.
"""

import jax, jax.numpy as jnp
import numpy as np

N_LOC = 128
N_GROUPS = 16
B = 16384
INIT_VAL = 0.0

def setup_inputs(seed: int = 0) -> dict:
    key = jax.random.key(seed)
    k1, k2 = jax.random.split(key)
    # batch of location ids (the 'location' entry in the xs dict, keys encoded as ints 0..N_LOC-1)
    location = jax.random.randint(k1, (B,), 0, N_LOC)
    # static location -> group-index mapping derived from location_groups at __init__ time
    loc_to_group = jax.random.randint(k2, (N_LOC,), 0, N_GROUPS)
    # ParameterList of n_groups scalar params, each initialized to init_val
    params = jnp.full((N_GROUPS,), INIT_VAL, dtype=jnp.float32)
    return {"params": params, "location": location, "loc_to_group": loc_to_group}

def reference(params, location, loc_to_group):
    # For each location in the batch, look up its group index, then gather the
    # scalar parameter for that group and view it as (1, 1); cat over the batch
    # yields shape (B, 1). Equivalent vectorized form:
    gix = jnp.take(loc_to_group, location, axis=0)
    ps = jnp.take(params, gix, axis=0).reshape(-1, 1)
    return ps

if __name__ == "__main__":
    import jax
    _d = setup_inputs()
    print(jax.jit(kernel)(*tuple(_d.values())))

</pallas_src>

<mosaic_0001>
#map = affine_map<(d0, d1) -> (0)>
module attributes {stable_mosaic.version = 14 : i64} {
  func.func @_lookup(%arg0: i32, %arg1: i32, %arg2: memref<16xf32, #tpu.memory_space<hbm>>, %arg3: memref<16384xi32, #tpu.memory_space<hbm>>, %arg4: memref<128xi32, #tpu.memory_space<hbm>>, %arg5: memref<16384xf32, #tpu.memory_space<hbm>>, %arg6: memref<16xf32, #tpu.memory_space<vmem>>, %arg7: memref<128xi32, #tpu.memory_space<vmem>>, %arg8: memref<128xf32, #tpu.memory_space<vmem>>, %arg9: memref<512xi32, #tpu.memory_space<vmem>>, %arg10: memref<512xf32, #tpu.memory_space<vmem>>) attributes {dimension_semantics = [#tpu.dimension_semantics<core_parallel>, #tpu.dimension_semantics<subcore_parallel>], iteration_bounds = array<i64: 2, 16>, scalar_prefetch = 0 : i64, scratch_operands = 5 : i64, tpu.core_type = #tpu.core_type<sc_vector_subcore>, window_params = [{transform_indices = #map}, {transform_indices = #map}, {transform_indices = #map}, {transform_indices = #map}]} {
    %mul3A = arith.constant 2 : i32
    %mul3A_0 = arith.muli %arg1, %mul3A : i32
    %add3A = arith.addi %mul3A_0, %arg0 : i32
    %mul3A_1 = arith.constant 512 : i32
    %mul3A_2 = arith.muli %add3A, %mul3A_1 : i32
    "tpu.region"() ({
      %run_scoped3A = tpu.sem_alloc : memref<!tpu.dma_semaphore, #tpu.memory_space<semaphore_mem>>
      tpu.enqueue_dma source(%arg2 : memref<16xf32, #tpu.memory_space<hbm>>) target(%arg6 : memref<16xf32, #tpu.memory_space<vmem>>) target_semaphore(%run_scoped3A : memref<!tpu.dma_semaphore, #tpu.memory_space<semaphore_mem>>)
      tpu.wait_dma2 semaphore(%run_scoped3A : memref<!tpu.dma_semaphore, #tpu.memory_space<semaphore_mem>>) src(%arg2 : memref<16xf32, #tpu.memory_space<hbm>>) dst(%arg6 : memref<16xf32, #tpu.memory_space<vmem>>)
      tpu.yield
    }) : () -> ()
    "tpu.region"() ({
      %run_scoped3A = tpu.sem_alloc : memref<!tpu.dma_semaphore, #tpu.memory_space<semaphore_mem>>
      tpu.enqueue_dma source(%arg4 : memref<128xi32, #tpu.memory_space<hbm>>) target(%arg7 : memref<128xi32, #tpu.memory_space<vmem>>) target_semaphore(%run_scoped3A : memref<!tpu.dma_semaphore, #tpu.memory_space<semaphore_mem>>)
      tpu.wait_dma2 semaphore(%run_scoped3A : memref<!tpu.dma_semaphore, #tpu.memory_space<semaphore_mem>>) src(%arg4 : memref<128xi32, #tpu.memory_space<hbm>>) dst(%arg7 : memref<128xi32, #tpu.memory_space<vmem>>)
      tpu.yield
    }) : () -> ()
    "tpu.region"() ({
      %run_scoped3A = tpu.sem_alloc : memref<!tpu.dma_semaphore, #tpu.memory_space<semaphore_mem>>
      %dma_start3A = tpu.memref_slice %arg3[%mul3A_2] : memref<16384xi32, #tpu.memory_space<hbm>> -> memref<512xi32, #tpu.memory_space<hbm>>
      %dma_start3A_200 = tpu.memref_slice %arg3[%mul3A_2] : memref<16384xi32, #tpu.memory_space<hbm>> -> memref<512xi32, #tpu.memory_space<hbm>>
      tpu.enqueue_dma source(%dma_start3A_200 : memref<512xi32, #tpu.memory_space<hbm>>) target(%arg9 : memref<512xi32, #tpu.memory_space<vmem>>) target_semaphore(%run_scoped3A : memref<!tpu.dma_semaphore, #tpu.memory_space<semaphore_mem>>)
      %dma_wait3A = tpu.memref_slice %arg3[%mul3A_2] : memref<16384xi32, #tpu.memory_space<hbm>> -> memref<512xi32, #tpu.memory_space<hbm>>
      %dma_wait3A_201 = tpu.memref_slice %arg3[%mul3A_2] : memref<16384xi32, #tpu.memory_space<hbm>> -> memref<512xi32, #tpu.memory_space<hbm>>
      tpu.wait_dma2 semaphore(%run_scoped3A : memref<!tpu.dma_semaphore, #tpu.memory_space<semaphore_mem>>) src(%dma_wait3A_201 : memref<512xi32, #tpu.memory_space<hbm>>) dst(%arg9 : memref<512xi32, #tpu.memory_space<vmem>>)
      tpu.yield
    }) : () -> ()
    %get3A = arith.constant 0 : index
    %get3A_3 = tpu.vector_load %arg7[%get3A] {strides = array<i32>} : memref<128xi32, #tpu.memory_space<vmem>>, vector<16xi32>,
    %gather3A = tpu.vector_load_idx %arg6[%get3A_3] : memref<16xf32, #tpu.memory_space<vmem>>[vector<16xi32>], vector<16xf32>,
    %swap3A = arith.constant 0 : index
    %swap3A_4 = tpu.vector_load %arg8[%swap3A] {strides = array<i32>} : memref<128xf32, #tpu.memory_space<vmem>>, vector<16xf32>,
    tpu.vector_store %arg8[%swap3A], %gather3A {strides = array<i32>} : memref<128xf32, #tpu.memory_space<vmem>>, vector<16xf32>,
    %get3A_5 = arith.constant 16 : index
    %get3A_6 = tpu.vector_load %arg7[%get3A_5] {strides = array<i32>} : memref<128xi32, #tpu.memory_space<vmem>>, vector<16xi32>,
    %gather3A_7 = tpu.vector_load_idx %arg6[%get3A_6] : memref<16xf32, #tpu.memory_space<vmem>>[vector<16xi32>], vector<16xf32>,
    %swap3A_8 = arith.constant 16 : index
    %swap3A_9 = tpu.vector_load %arg8[%swap3A_8] {strides = array<i32>} : memref<128xf32, #tpu.memory_space<vmem>>, vector<16xf32>,
    tpu.vector_store %arg8[%swap3A_8], %gather3A_7 {strides = array<i32>} : memref<128xf32, #tpu.memory_space<vmem>>, vector<16xf32>,
    %get3A_10 = arith.constant 32 : index
    %get3A_11 = tpu.vector_load %arg7[%get3A_10] {strides = array<i32>} : memref<128xi32, #tpu.memory_space<vmem>>, vector<16xi32>,
    %gather3A_12 = tpu.vector_load_idx %arg6[%get3A_11] : memref<16xf32, #tpu.memory_space<vmem>>[vector<16xi32>], vector<16xf32>,
    %swap3A_13 = arith.constant 32 : index
    %swap3A_14 = tpu.vector_load %arg8[%swap3A_13] {strides = array<i32>} : memref<128xf32, #tpu.memory_space<vmem>>, vector<16xf32>,
    tpu.vector_store %arg8[%swap3A_13], %gather3A_12 {strides = array<i32>} : memref<128xf32, #tpu.memory_space<vmem>>, vector<16xf32>,
    %get3A_15 = arith.constant 48 : index
    %get3A_16 = tpu.vector_load %arg7[%get3A_15] {strides = array<i32>} : memref<128xi32, #tpu.memory_space<vmem>>, vector<16xi32>,
    %gather3A_17 = tpu.vector_load_idx %arg6[%get3A_16] : memref<16xf32, #tpu.memory_space<vmem>>[vector<16xi32>], vector<16xf32>,
    %swap3A_18 = arith.constant 48 : index
    %swap3A_19 = tpu.vector_load %arg8[%swap3A_18] {strides = array<i32>} : memref<128xf32, #tpu.memory_space<vmem>>, vector<16xf32>,
    tpu.vector_store %arg8[%swap3A_18], %gather3A_17 {strides = array<i32>} : memref<128xf32, #tpu.memory_space<vmem>>, vector<16xf32>,
    %get3A_20 = arith.constant 64 : index
    %get3A_21 = tpu.vector_load %arg7[%get3A_20] {strides = array<i32>} : memref<128xi32, #tpu.memory_space<vmem>>, vector<16xi32>,
    %gather3A_22 = tpu.vector_load_idx %arg6[%get3A_21] : memref<16xf32, #tpu.memory_space<vmem>>[vector<16xi32>], vector<16xf32>,
    %swap3A_23 = arith.constant 64 : index
    %swap3A_24 = tpu.vector_load %arg8[%swap3A_23] {strides = array<i32>} : memref<128xf32, #tpu.memory_space<vmem>>, vector<16xf32>,
    tpu.vector_store %arg8[%swap3A_23], %gather3A_22 {strides = array<i32>} : memref<128xf32, #tpu.memory_space<vmem>>, vector<16xf32>,
    %get3A_25 = arith.constant 80 : index
    %get3A_26 = tpu.vector_load %arg7[%get3A_25] {strides = array<i32>} : memref<128xi32, #tpu.memory_space<vmem>>, vector<16xi32>,
    %gather3A_27 = tpu.vector_load_idx %arg6[%get3A_26] : memref<16xf32, #tpu.memory_space<vmem>>[vector<16xi32>], vector<16xf32>,
    %swap3A_28 = arith.constant 80 : index
    %swap3A_29 = tpu.vector_load %arg8[%swap3A_28] {strides = array<i32>} : memref<128xf32, #tpu.memory_space<vmem>>, vector<16xf32>,
    tpu.vector_store %arg8[%swap3A_28], %gather3A_27 {strides = array<i32>} : memref<128xf32, #tpu.memory_space<vmem>>, vector<16xf32>,
    %get3A_30 = arith.constant 96 : index
    %get3A_31 = tpu.vector_load %arg7[%get3A_30] {strides = array<i32>} : memref<128xi32, #tpu.memory_space<vmem>>, vector<16xi32>,
    %gather3A_32 = tpu.vector_load_idx %arg6[%get3A_31] : memref<16xf32, #tpu.memory_space<vmem>>[vector<16xi32>], vector<16xf32>,
    %swap3A_33 = arith.constant 96 : index
    %swap3A_34 = tpu.vector_load %arg8[%swap3A_33] {strides = array<i32>} : memref<128xf32, #tpu.memory_space<vmem>>, vector<16xf32>,
    tpu.vector_store %arg8[%swap3A_33], %gather3A_32 {strides = array<i32>} : memref<128xf32, #tpu.memory_space<vmem>>, vector<16xf32>,
    %get3A_35 = arith.constant 112 : index
    %get3A_36 = tpu.vector_load %arg7[%get3A_35] {strides = array<i32>} : memref<128xi32, #tpu.memory_space<vmem>>, vector<16xi32>,
    %gather3A_37 = tpu.vector_load_idx %arg6[%get3A_36] : memref<16xf32, #tpu.memory_space<vmem>>[vector<16xi32>], vector<16xf32>,
    %swap3A_38 = arith.constant 112 : index
    %swap3A_39 = tpu.vector_load %arg8[%swap3A_38] {strides = array<i32>} : memref<128xf32, #tpu.memory_space<vmem>>, vector<16xf32>,
    tpu.vector_store %arg8[%swap3A_38], %gather3A_37 {strides = array<i32>} : memref<128xf32, #tpu.memory_space<vmem>>, vector<16xf32>,
    %get3A_40 = arith.constant 0 : index
    %get3A_41 = tpu.vector_load %arg9[%get3A_40] {strides = array<i32>} : memref<512xi32, #tpu.memory_space<vmem>>, vector<16xi32>,
    %gather3A_42 = tpu.vector_load_idx %arg8[%get3A_41] : memref<128xf32, #tpu.memory_space<vmem>>[vector<16xi32>], vector<16xf32>,
    %swap3A_43 = arith.constant 0 : index
    %swap3A_44 = tpu.vector_load %arg10[%swap3A_43] {strides = array<i32>} : memref<512xf32, #tpu.memory_space<vmem>>, vector<16xf32>,
    tpu.vector_store %arg10[%swap3A_43], %gather3A_42 {strides = array<i32>} : memref<512xf32, #tpu.memory_space<vmem>>, vector<16xf32>,
    %get3A_45 = arith.constant 16 : index
    %get3A_46 = tpu.vector_load %arg9[%get3A_45] {strides = array<i32>} : memref<512xi32, #tpu.memory_space<vmem>>, vector<16xi32>,
    %gather3A_47 = tpu.vector_load_idx %arg8[%get3A_46] : memref<128xf32, #tpu.memory_space<vmem>>[vector<16xi32>], vector<16xf32>,
    %swap3A_48 = arith.constant 16 : index
    %swap3A_49 = tpu.vector_load %arg10[%swap3A_48] {strides = array<i32>} : memref<512xf32, #tpu.memory_space<vmem>>, vector<16xf32>,
    tpu.vector_store %arg10[%swap3A_48], %gather3A_47 {strides = array<i32>} : memref<512xf32, #tpu.memory_space<vmem>>, vector<16xf32>,
    %get3A_50 = arith.constant 32 : index
    %get3A_51 = tpu.vector_load %arg9[%get3A_50] {strides = array<i32>} : memref<512xi32, #tpu.memory_space<vmem>>, vector<16xi32>,
    %gather3A_52 = tpu.vector_load_idx %arg8[%get3A_51] : memref<128xf32, #tpu.memory_space<vmem>>[vector<16xi32>], vector<16xf32>,
    %swap3A_53 = arith.constant 32 : index
    %swap3A_54 = tpu.vector_load %arg10[%swap3A_53] {strides = array<i32>} : memref<512xf32, #tpu.memory_space<vmem>>, vector<16xf32>,
    tpu.vector_store %arg10[%swap3A_53], %gather3A_52 {strides = array<i32>} : memref<512xf32, #tpu.memory_space<vmem>>, vector<16xf32>,
    %get3A_55 = arith.constant 48 : index
    %get3A_56 = tpu.vector_load %arg9[%get3A_55] {strides = array<i32>} : memref<512xi32, #tpu.memory_space<vmem>>, vector<16xi32>,
    %gather3A_57 = tpu.vector_load_idx %arg8[%get3A_56] : memref<128xf32, #tpu.memory_space<vmem>>[vector<16xi32>], vector<16xf32>,
    %swap3A_58 = arith.constant 48 : index
    %swap3A_59 = tpu.vector_load %arg10[%swap3A_58] {strides = array<i32>} : memref<512xf32, #tpu.memory_space<vmem>>, vector<16xf32>,
    tpu.vector_store %arg10[%swap3A_58], %gather3A_57 {strides = array<i32>} : memref<512xf32, #tpu.memory_space<vmem>>, vector<16xf32>,
    %get3A_60 = arith.constant 64 : index
    %get3A_61 = tpu.vector_load %arg9[%get3A_60] {strides = array<i32>} : memref<512xi32, #tpu.memory_space<vmem>>, vector<16xi32>,
    %gather3A_62 = tpu.vector_load_idx %arg8[%get3A_61] : memref<128xf32, #tpu.memory_space<vmem>>[vector<16xi32>], vector<16xf32>,
    %swap3A_63 = arith.constant 64 : index
    %swap3A_64 = tpu.vector_load %arg10[%swap3A_63] {strides = array<i32>} : memref<512xf32, #tpu.memory_space<vmem>>, vector<16xf32>,
    tpu.vector_store %arg10[%swap3A_63], %gather3A_62 {strides = array<i32>} : memref<512xf32, #tpu.memory_space<vmem>>, vector<16xf32>,
    %get3A_65 = arith.constant 80 : index
    %get3A_66 = tpu.vector_load %arg9[%get3A_65] {strides = array<i32>} : memref<512xi32, #tpu.memory_space<vmem>>, vector<16xi32>,
    %gather3A_67 = tpu.vector_load_idx %arg8[%get3A_66] : memref<128xf32, #tpu.memory_space<vmem>>[vector<16xi32>], vector<16xf32>,
    %swap3A_68 = arith.constant 80 : index
    %swap3A_69 = tpu.vector_load %arg10[%swap3A_68] {strides = array<i32>} : memref<512xf32, #tpu.memory_space<vmem>>, vector<16xf32>,
    tpu.vector_store %arg10[%swap3A_68], %gather3A_67 {strides = array<i32>} : memref<512xf32, #tpu.memory_space<vmem>>, vector<16xf32>,
    %get3A_70 = arith.constant 96 : index
    %get3A_71 = tpu.vector_load %arg9[%get3A_70] {strides = array<i32>} : memref<512xi32, #tpu.memory_space<vmem>>, vector<16xi32>,
    %gather3A_72 = tpu.vector_load_idx %arg8[%get3A_71] : memref<128xf32, #tpu.memory_space<vmem>>[vector<16xi32>], vector<16xf32>,
    %swap3A_73 = arith.constant 96 : index
    %swap3A_74 = tpu.vector_load %arg10[%swap3A_73] {strides = array<i32>} : memref<512xf32, #tpu.memory_space<vmem>>, vector<16xf32>,
    tpu.vector_store %arg10[%swap3A_73], %gather3A_72 {strides = array<i32>} : memref<512xf32, #tpu.memory_space<vmem>>, vector<16xf32>,
    %get3A_75 = arith.constant 112 : index
    %get3A_76 = tpu.vector_load %arg9[%get3A_75] {strides = array<i32>} : memref<512xi32, #tpu.memory_space<vmem>>, vector<16xi32>,
    %gather3A_77 = tpu.vector_load_idx %arg8[%get3A_76] : memref<128xf32, #tpu.memory_space<vmem>>[vector<16xi32>], vector<16xf32>,
    %swap3A_78 = arith.constant 112 : index
    %swap3A_79 = tpu.vector_load %arg10[%swap3A_78] {strides = array<i32>} : memref<512xf32, #tpu.memory_space<vmem>>, vector<16xf32>,
    tpu.vector_store %arg10[%swap3A_78], %gather3A_77 {strides = array<i32>} : memref<512xf32, #tpu.memory_space<vmem>>, vector<16xf32>,
    %get3A_80 = arith.constant 128 : index
    %get3A_81 = tpu.vector_load %arg9[%get3A_80] {strides = array<i32>} : memref<512xi32, #tpu.memory_space<vmem>>, vector<16xi32>,
    %gather3A_82 = tpu.vector_load_idx %arg8[%get3A_81] : memref<128xf32, #tpu.memory_space<vmem>>[vector<16xi32>], vector<16xf32>,
    %swap3A_83 = arith.constant 128 : index
    %swap3A_84 = tpu.vector_load %arg10[%swap3A_83] {strides = array<i32>} : memref<512xf32, #tpu.memory_space<vmem>>, vector<16xf32>,
    tpu.vector_store %arg10[%swap3A_83], %gather3A_82 {strides = array<i32>} : memref<512xf32, #tpu.memory_space<vmem>>, vector<16xf32>,
    %get3A_85 = arith.constant 144 : index
    %get3A_86 = tpu.vector_load %arg9[%get3A_85] {strides = array<i32>} : memref<512xi32, #tpu.memory_space<vmem>>, vector<16xi32>,
    %gather3A_87 = tpu.vector_load_idx %arg8[%get3A_86] : memref<128xf32, #tpu.memory_space<vmem>>[vector<16xi32>], vector<16xf32>,
    %swap3A_88 = arith.constant 144 : index
    %swap3A_89 = tpu.vector_load %arg10[%swap3A_88] {strides = array<i32>} : memref<512xf32, #tpu.memory_space<vmem>>, vector<16xf32>,
    tpu.vector_store %arg10[%swap3A_88], %gather3A_87 {strides = array<i32>} : memref<512xf32, #tpu.memory_space<vmem>>, vector<16xf32>,
    %get3A_90 = arith.constant 160 : index
    %get3A_91 = tpu.vector_load %arg9[%get3A_90] {strides = array<i32>} : memref<512xi32, #tpu.memory_space<vmem>>, vector<16xi32>,
    %gather3A_92 = tpu.vector_load_idx %arg8[%get3A_91] : memref<128xf32, #tpu.memory_space<vmem>>[vector<16xi32>], vector<16xf32>,
    %swap3A_93 = arith.constant 160 : index
    %swap3A_94 = tpu.vector_load %arg10[%swap3A_93] {strides = array<i32>} : memref<512xf32, #tpu.memory_space<vmem>>, vector<16xf32>,
    tpu.vector_store %arg10[%swap3A_93], %gather3A_92 {strides = array<i32>} : memref<512xf32, #tpu.memory_space<vmem>>, vector<16xf32>,
    %get3A_95 = arith.constant 176 : index
    %get3A_96 = tpu.vector_load %arg9[%get3A_95] {strides = array<i32>} : memref<512xi32, #tpu.memory_space<vmem>>, vector<16xi32>,
    %gather3A_97 = tpu.vector_load_idx %arg8[%get3A_96] : memref<128xf32, #tpu.memory_space<vmem>>[vector<16xi32>], vector<16xf32>,
    %swap3A_98 = arith.constant 176 : index
    %swap3A_99 = tpu.vector_load %arg10[%swap3A_98] {strides = array<i32>} : memref<512xf32, #tpu.memory_space<vmem>>, vector<16xf32>,
    tpu.vector_store %arg10[%swap3A_98], %gather3A_97 {strides = array<i32>} : memref<512xf32, #tpu.memory_space<vmem>>, vector<16xf32>,
    %get3A_100 = arith.constant 192 : index
    %get3A_101 = tpu.vector_load %arg9[%get3A_100] {strides = array<i32>} : memref<512xi32, #tpu.memory_space<vmem>>, vector<16xi32>,
    %gather3A_102 = tpu.vector_load_idx %arg8[%get3A_101] : memref<128xf32, #tpu.memory_space<vmem>>[vector<16xi32>], vector<16xf32>,
    %swap3A_103 = arith.constant 192 : index
    %swap3A_104 = tpu.vector_load %arg10[%swap3A_103] {strides = array<i32>} : memref<512xf32, #tpu.memory_space<vmem>>, vector<16xf32>,
    tpu.vector_store %arg10[%swap3A_103], %gather3A_102 {strides = array<i32>} : memref<512xf32, #tpu.memory_space<vmem>>, vector<16xf32>,
    %get3A_105 = arith.constant 208 : index
    %get3A_106 = tpu.vector_load %arg9[%get3A_105] {strides = array<i32>} : memref<512xi32, #tpu.memory_space<vmem>>, vector<16xi32>,
    %gather3A_107 = tpu.vector_load_idx %arg8[%get3A_106] : memref<128xf32, #tpu.memory_space<vmem>>[vector<16xi32>], vector<16xf32>,
    %swap3A_108 = arith.constant 208 : index
    %swap3A_109 = tpu.vector_load %arg10[%swap3A_108] {strides = array<i32>} : memref<512xf32, #tpu.memory_space<vmem>>, vector<16xf32>,
    tpu.vector_store %arg10[%swap3A_108], %gather3A_107 {strides = array<i32>} : memref<512xf32, #tpu.memory_space<vmem>>, vector<16xf32>,
    %get3A_110 = arith.constant 224 : index
    %get3A_111 = tpu.vector_load %arg9[%get3A_110] {strides = array<i32>} : memref<512xi32, #tpu.memory_space<vmem>>, vector<16xi32>,
    %gather3A_112 = tpu.vector_load_idx %arg8[%get3A_111] : memref<128xf32, #tpu.memory_space<vmem>>[vector<16xi32>], vector<16xf32>,
    %swap3A_113 = arith.constant 224 : index
    %swap3A_114 = tpu.vector_load %arg10[%swap3A_113] {strides = array<i32>} : memref<512xf32, #tpu.memory_space<vmem>>, vector<16xf32>,
    tpu.vector_store %arg10[%swap3A_113], %gather3A_112 {strides = array<i32>} : memref<512xf32, #tpu.memory_space<vmem>>, vector<16xf32>,
    %get3A_115 = arith.constant 240 : index
    %get3A_116 = tpu.vector_load %arg9[%get3A_115] {strides = array<i32>} : memref<512xi32, #tpu.memory_space<vmem>>, vector<16xi32>,
    %gather3A_117 = tpu.vector_load_idx %arg8[%get3A_116] : memref<128xf32, #tpu.memory_space<vmem>>[vector<16xi32>], vector<16xf32>,
    %swap3A_118 = arith.constant 240 : index
    %swap3A_119 = tpu.vector_load %arg10[%swap3A_118] {strides = array<i32>} : memref<512xf32, #tpu.memory_space<vmem>>, vector<16xf32>,
    tpu.vector_store %arg10[%swap3A_118], %gather3A_117 {strides = array<i32>} : memref<512xf32, #tpu.memory_space<vmem>>, vector<16xf32>,
    %get3A_120 = arith.constant 256 : index
    %get3A_121 = tpu.vector_load %arg9[%get3A_120] {strides = array<i32>} : memref<512xi32, #tpu.memory_space<vmem>>, vector<16xi32>,
    %gather3A_122 = tpu.vector_load_idx %arg8[%get3A_121] : memref<128xf32, #tpu.memory_space<vmem>>[vector<16xi32>], vector<16xf32>,
    %swap3A_123 = arith.constant 256 : index
    %swap3A_124 = tpu.vector_load %arg10[%swap3A_123] {strides = array<i32>} : memref<512xf32, #tpu.memory_space<vmem>>, vector<16xf32>,
    tpu.vector_store %arg10[%swap3A_123], %gather3A_122 {strides = array<i32>} : memref<512xf32, #tpu.memory_space<vmem>>, vector<16xf32>,
    %get3A_125 = arith.constant 272 : index
    %get3A_126 = tpu.vector_load %arg9[%get3A_125] {strides = array<i32>} : memref<512xi32, #tpu.memory_space<vmem>>, vector<16xi32>,
    %gather3A_127 = tpu.vector_load_idx %arg8[%get3A_126] : memref<128xf32, #tpu.memory_space<vmem>>[vector<16xi32>], vector<16xf32>,
    %swap3A_128 = arith.constant 272 : index
    %swap3A_129 = tpu.vector_load %arg10[%swap3A_128] {strides = array<i32>} : memref<512xf32, #tpu.memory_space<vmem>>, vector<16xf32>,
    tpu.vector_store %arg10[%swap3A_128], %gather3A_127 {strides = array<i32>} : memref<512xf32, #tpu.memory_space<vmem>>, vector<16xf32>,
    %get3A_130 = arith.constant 288 : index
    %get3A_131 = tpu.vector_load %arg9[%get3A_130] {strides = array<i32>} : memref<512xi32, #tpu.memory_space<vmem>>, vector<16xi32>,
    %gather3A_132 = tpu.vector_load_idx %arg8[%get3A_131] : memref<128xf32, #tpu.memory_space<vmem>>[vector<16xi32>], vector<16xf32>,
    %swap3A_133 = arith.constant 288 : index
    %swap3A_134 = tpu.vector_load %arg10[%swap3A_133] {strides = array<i32>} : memref<512xf32, #tpu.memory_space<vmem>>, vector<16xf32>,
    tpu.vector_store %arg10[%swap3A_133], %gather3A_132 {strides = array<i32>} : memref<512xf32, #tpu.memory_space<vmem>>, vector<16xf32>,
    %get3A_135 = arith.constant 304 : index
    %get3A_136 = tpu.vector_load %arg9[%get3A_135] {strides = array<i32>} : memref<512xi32, #tpu.memory_space<vmem>>, vector<16xi32>,
    %gather3A_137 = tpu.vector_load_idx %arg8[%get3A_136] : memref<128xf32, #tpu.memory_space<vmem>>[vector<16xi32>], vector<16xf32>,
    %swap3A_138 = arith.constant 304 : index
    %swap3A_139 = tpu.vector_load %arg10[%swap3A_138] {strides = array<i32>} : memref<512xf32, #tpu.memory_space<vmem>>, vector<16xf32>,
    tpu.vector_store %arg10[%swap3A_138], %gather3A_137 {strides = array<i32>} : memref<512xf32, #tpu.memory_space<vmem>>, vector<16xf32>,
    %get3A_140 = arith.constant 320 : index
    %get3A_141 = tpu.vector_load %arg9[%get3A_140] {strides = array<i32>} : memref<512xi32, #tpu.memory_space<vmem>>, vector<16xi32>,
    %gather3A_142 = tpu.vector_load_idx %arg8[%get3A_141] : memref<128xf32, #tpu.memory_space<vmem>>[vector<16xi32>], vector<16xf32>,
    %swap3A_143 = arith.constant 320 : index
    %swap3A_144 = tpu.vector_load %arg10[%swap3A_143] {strides = array<i32>} : memref<512xf32, #tpu.memory_space<vmem>>, vector<16xf32>,
    tpu.vector_store %arg10[%swap3A_143], %gather3A_142 {strides = array<i32>} : memref<512xf32, #tpu.memory_space<vmem>>, vector<16xf32>,
    %get3A_145 = arith.constant 336 : index
    %get3A_146 = tpu.vector_load %arg9[%get3A_145] {strides = array<i32>} : memref<512xi32, #tpu.memory_space<vmem>>, vector<16xi32>,
    %gather3A_147 = tpu.vector_load_idx %arg8[%get3A_146] : memref<128xf32, #tpu.memory_space<vmem>>[vector<16xi32>], vector<16xf32>,
    %swap3A_148 = arith.constant 336 : index
    %swap3A_149 = tpu.vector_load %arg10[%swap3A_148] {strides = array<i32>} : memref<512xf32, #tpu.memory_space<vmem>>, vector<16xf32>,
    tpu.vector_store %arg10[%swap3A_148], %gather3A_147 {strides = array<i32>} : memref<512xf32, #tpu.memory_space<vmem>>, vector<16xf32>,
    %get3A_150 = arith.constant 352 : index
    %get3A_151 = tpu.vector_load %arg9[%get3A_150] {strides = array<i32>} : memref<512xi32, #tpu.memory_space<vmem>>, vector<16xi32>,
    %gather3A_152 = tpu.vector_load_idx %arg8[%get3A_151] : memref<128xf32, #tpu.memory_space<vmem>>[vector<16xi32>], vector<16xf32>,
    %swap3A_153 = arith.constant 352 : index
    %swap3A_154 = tpu.vector_load %arg10[%swap3A_153] {strides = array<i32>} : memref<512xf32, #tpu.memory_space<vmem>>, vector<16xf32>,
    tpu.vector_store %arg10[%swap3A_153], %gather3A_152 {strides = array<i32>} : memref<512xf32, #tpu.memory_space<vmem>>, vector<16xf32>,
    %get3A_155 = arith.constant 368 : index
    %get3A_156 = tpu.vector_load %arg9[%get3A_155] {strides = array<i32>} : memref<512xi32, #tpu.memory_space<vmem>>, vector<16xi32>,
    %gather3A_157 = tpu.vector_load_idx %arg8[%get3A_156] : memref<128xf32, #tpu.memory_space<vmem>>[vector<16xi32>], vector<16xf32>,
    %swap3A_158 = arith.constant 368 : index
    %swap3A_159 = tpu.vector_load %arg10[%swap3A_158] {strides = array<i32>} : memref<512xf32, #tpu.memory_space<vmem>>, vector<16xf32>,
    tpu.vector_store %arg10[%swap3A_158], %gather3A_157 {strides = array<i32>} : memref<512xf32, #tpu.memory_space<vmem>>, vector<16xf32>,
    %get3A_160 = arith.constant 384 : index
    %get3A_161 = tpu.vector_load %arg9[%get3A_160] {strides = array<i32>} : memref<512xi32, #tpu.memory_space<vmem>>, vector<16xi32>,
    %gather3A_162 = tpu.vector_load_idx %arg8[%get3A_161] : memref<128xf32, #tpu.memory_space<vmem>>[vector<16xi32>], vector<16xf32>,
    %swap3A_163 = arith.constant 384 : index
    %swap3A_164 = tpu.vector_load %arg10[%swap3A_163] {strides = array<i32>} : memref<512xf32, #tpu.memory_space<vmem>>, vector<16xf32>,
    tpu.vector_store %arg10[%swap3A_163], %gather3A_162 {strides = array<i32>} : memref<512xf32, #tpu.memory_space<vmem>>, vector<16xf32>,
    %get3A_165 = arith.constant 400 : index
    %get3A_166 = tpu.vector_load %arg9[%get3A_165] {strides = array<i32>} : memref<512xi32, #tpu.memory_space<vmem>>, vector<16xi32>,
    %gather3A_167 = tpu.vector_load_idx %arg8[%get3A_166] : memref<128xf32, #tpu.memory_space<vmem>>[vector<16xi32>], vector<16xf32>,
    %swap3A_168 = arith.constant 400 : index
    %swap3A_169 = tpu.vector_load %arg10[%swap3A_168] {strides = array<i32>} : memref<512xf32, #tpu.memory_space<vmem>>, vector<16xf32>,
    tpu.vector_store %arg10[%swap3A_168], %gather3A_167 {strides = array<i32>} : memref<512xf32, #tpu.memory_space<vmem>>, vector<16xf32>,
    %get3A_170 = arith.constant 416 : index
    %get3A_171 = tpu.vector_load %arg9[%get3A_170] {strides = array<i32>} : memref<512xi32, #tpu.memory_space<vmem>>, vector<16xi32>,
    %gather3A_172 = tpu.vector_load_idx %arg8[%get3A_171] : memref<128xf32, #tpu.memory_space<vmem>>[vector<16xi32>], vector<16xf32>,
    %swap3A_173 = arith.constant 416 : index
    %swap3A_174 = tpu.vector_load %arg10[%swap3A_173] {strides = array<i32>} : memref<512xf32, #tpu.memory_space<vmem>>, vector<16xf32>,
    tpu.vector_store %arg10[%swap3A_173], %gather3A_172 {strides = array<i32>} : memref<512xf32, #tpu.memory_space<vmem>>, vector<16xf32>,
    %get3A_175 = arith.constant 432 : index
    %get3A_176 = tpu.vector_load %arg9[%get3A_175] {strides = array<i32>} : memref<512xi32, #tpu.memory_space<vmem>>, vector<16xi32>,
    %gather3A_177 = tpu.vector_load_idx %arg8[%get3A_176] : memref<128xf32, #tpu.memory_space<vmem>>[vector<16xi32>], vector<16xf32>,
    %swap3A_178 = arith.constant 432 : index
    %swap3A_179 = tpu.vector_load %arg10[%swap3A_178] {strides = array<i32>} : memref<512xf32, #tpu.memory_space<vmem>>, vector<16xf32>,
    tpu.vector_store %arg10[%swap3A_178], %gather3A_177 {strides = array<i32>} : memref<512xf32, #tpu.memory_space<vmem>>, vector<16xf32>,
    %get3A_180 = arith.constant 448 : index
    %get3A_181 = tpu.vector_load %arg9[%get3A_180] {strides = array<i32>} : memref<512xi32, #tpu.memory_space<vmem>>, vector<16xi32>,
    %gather3A_182 = tpu.vector_load_idx %arg8[%get3A_181] : memref<128xf32, #tpu.memory_space<vmem>>[vector<16xi32>], vector<16xf32>,
    %swap3A_183 = arith.constant 448 : index
    %swap3A_184 = tpu.vector_load %arg10[%swap3A_183] {strides = array<i32>} : memref<512xf32, #tpu.memory_space<vmem>>, vector<16xf32>,
    tpu.vector_store %arg10[%swap3A_183], %gather3A_182 {strides = array<i32>} : memref<512xf32, #tpu.memory_space<vmem>>, vector<16xf32>,
    %get3A_185 = arith.constant 464 : index
    %get3A_186 = tpu.vector_load %arg9[%get3A_185] {strides = array<i32>} : memref<512xi32, #tpu.memory_space<vmem>>, vector<16xi32>,
    %gather3A_187 = tpu.vector_load_idx %arg8[%get3A_186] : memref<128xf32, #tpu.memory_space<vmem>>[vector<16xi32>], vector<16xf32>,
    %swap3A_188 = arith.constant 464 : index
    %swap3A_189 = tpu.vector_load %arg10[%swap3A_188] {strides = array<i32>} : memref<512xf32, #tpu.memory_space<vmem>>, vector<16xf32>,
    tpu.vector_store %arg10[%swap3A_188], %gather3A_187 {strides = array<i32>} : memref<512xf32, #tpu.memory_space<vmem>>, vector<16xf32>,
    %get3A_190 = arith.constant 480 : index
    %get3A_191 = tpu.vector_load %arg9[%get3A_190] {strides = array<i32>} : memref<512xi32, #tpu.memory_space<vmem>>, vector<16xi32>,
    %gather3A_192 = tpu.vector_load_idx %arg8[%get3A_191] : memref<128xf32, #tpu.memory_space<vmem>>[vector<16xi32>], vector<16xf32>,
    %swap3A_193 = arith.constant 480 : index
    %swap3A_194 = tpu.vector_load %arg10[%swap3A_193] {strides = array<i32>} : memref<512xf32, #tpu.memory_space<vmem>>, vector<16xf32>,
    tpu.vector_store %arg10[%swap3A_193], %gather3A_192 {strides = array<i32>} : memref<512xf32, #tpu.memory_space<vmem>>, vector<16xf32>,
    %get3A_195 = arith.constant 496 : index
    %get3A_196 = tpu.vector_load %arg9[%get3A_195] {strides = array<i32>} : memref<512xi32, #tpu.memory_space<vmem>>, vector<16xi32>,
    %gather3A_197 = tpu.vector_load_idx %arg8[%get3A_196] : memref<128xf32, #tpu.memory_space<vmem>>[vector<16xi32>], vector<16xf32>,
    %swap3A_198 = arith.constant 496 : index
    %swap3A_199 = tpu.vector_load %arg10[%swap3A_198] {strides = array<i32>} : memref<512xf32, #tpu.memory_space<vmem>>, vector<16xf32>,
    tpu.vector_store %arg10[%swap3A_198], %gather3A_197 {strides = array<i32>} : memref<512xf32, #tpu.memory_space<vmem>>, vector<16xf32>,
    "tpu.region"() ({
      %run_scoped3A = tpu.sem_alloc : memref<!tpu.dma_semaphore, #tpu.memory_space<semaphore_mem>>
      %dma_start3A = tpu.memref_slice %arg5[%mul3A_2] : memref<16384xf32, #tpu.memory_space<hbm>> -> memref<512xf32, #tpu.memory_space<hbm>>
      %dma_start3A_200 = tpu.memref_slice %arg5[%mul3A_2] : memref<16384xf32, #tpu.memory_space<hbm>> -> memref<512xf32, #tpu.memory_space<hbm>>
      tpu.enqueue_dma source(%arg10 : memref<512xf32, #tpu.memory_space<vmem>>) target(%dma_start3A_200 : memref<512xf32, #tpu.memory_space<hbm>>) target_semaphore(%run_scoped3A : memref<!tpu.dma_semaphore, #tpu.memory_space<semaphore_mem>>)
      %dma_wait3A = tpu.memref_slice %arg5[%mul3A_2] : memref<16384xf32, #tpu.memory_space<hbm>> -> memref<512xf32, #tpu.memory_space<hbm>>
      %dma_wait3A_201 = tpu.memref_slice %arg5[%mul3A_2] : memref<16384xf32, #tpu.memory_space<hbm>> -> memref<512xf32, #tpu.memory_space<hbm>>
      tpu.wait_dma2 semaphore(%run_scoped3A : memref<!tpu.dma_semaphore, #tpu.memory_space<semaphore_mem>>) src(%arg10 : memref<512xf32, #tpu.memory_space<vmem>>) dst(%dma_wait3A_201 : memref<512xf32, #tpu.memory_space<hbm>>)
      tpu.yield
    }) : () -> ()
    return
  }
}

</mosaic_0001>

<sc_bundles>
// kernel: kernel.3.cloned.1.call-start
scs
__scs_entry_jumppad:
0x0: {  	(pc) =	sbr.rel $0x88, $3  }
0x1: {  	(tag) =	ssettag $0x0;
	lr =	simm.s32 $0x1  }
0x2: {  	[smem:$0x3F9E] =	sst lr;
	_ =	strace $0xD0000000  }
0x3: {  	_ = 	snop  }
0x4: {  	_ = 	snop  }
0x5: {  	_ = 	snop  }
0x6: {  	_ = 	snop  }
0x7: {  	_ = 	snop  }
__scs_overlays_trampoline_lowered:
0x8: {  	[smem:$0x3FAD] =	sst s0  }
0x9: {  	[smem:$0x3FAE] =	sst s1  }
0xa: {  	[smem:$0x3FAF] =	sst s2  }
0xb: {  	[smem:$0x3FB0] =	sst s3  }
0xc: {  	[smem:$0x3FB1] =	sst s4  }
0xd: {  	[smem:$0x3FB2] =	sst s5  }
0xe: {  	[smem:$0x3FB3] =	sst s6  }
0xf: {  	[smem:$0x3FB4] =	sst s7  }
0x10: {  	[smem:$0x3FB5] =	sst s8  }
0x11: {  	[smem:$0x3FB6] =	sst s9;
	s0 =	simm.s32 @!p0 $0x0  }
0x12: {  	s1 =	sld [smem:$0x3F9C];
	s0 =	simm.s32 @p0 $0x1  }
0x13: {  	[smem:$0x3FB7] =	sst s0;
	s0 =	simm.s32 @!p1 $0x0  }
0x14: {  	s2 =	sld [smem:$0x3F9B];
	s0 =	simm.s32 @p1 $0x1  }
0x15: {  	[smem:$0x3FB8] =	sst s0;
	s0 =	simm.s32 @!p2 $0x0  }
0x16: {  	s3 =	sld [smem:$0x3FDB];
	s0 =	simm.s32 @p2 $0x1  }
0x17: {  	s4 =	simm.s32 $0x1BF5;
	[smem:$0x3FBA] =	sst s0  }
0x18: {  	s0 =	sld [smem:$0x3F9D];
	_ =	swait.ge [sflag:s4], $0x0  }
0x19: {  	s7 =	sld [smem:$0x3F9E]  }
0x1a: {  	s8 =	sadd.s32 $0xFFFFE003, lr  }
0x1b: {  	s9 =	sadd.s32 $0xFFFFFEF7, lr;
	s5 =	simm.s32 $0xFFFFFFFF;
	p2 =	slt.u32 s8, $0xFFFFF086  }
0x1c: {  	p1 =	slt.u32 s9, $0xF7A;
	s5 =	simm.s32 @!p2 $0x0  }
0x1d: {  	s5 =	simm.s32 @p1 $0x1;
	p0 =	seq.s32 s7, s2  }
0x1e: {  	s7 =	smul.u32 @!p0 $0xF7A, s2;
	p2 =	seq.s32 @!p0 s5, $0x0  }
0x1f: {  	s9 =	smul.u32 $0xF7A, s1;
	s8 =	simm.s32 @!p0 $0x1BF5;
	p2 =	por !p2, p0  }
0x20: {  	[sflag:s8] =	ssyncset.s32 @!p0 $0xFFFFF086;
	s6 =	sadd.s32 @!p0 s3, s7;
	s7 =	simm.s32 @!p0 $0x108  }
0x21: {  	s3 =	sadd.s32 s3, s9;
	s6 =	sadd.s32 @!p0 $0x88, s6;
	s7 =	simm.s32 @p2 $0x1082  }
0x22: {  	[simem:s7], [sflag:s8] =	dma.local @!p0 [hbm:s6], $0xF7A  }
0x23: {  	s9 =	sor.u32 $0xD0000000, s2;
	s6 =	simm.s32 $0x108;
	_ =	swait.ge @!p0 [sflag:s8], $0x0  }
0x24: {  	s3 =	sadd.s32 $0x88, s3;
	s6 =	simm.s32 @!p1 $0x1082;
	[sflag:s4] =	ssyncset.s32 $0xFFFFF086  }
0x25: {  	[simem:s6], [sflag:s4] =	dma.local [hbm:s3], $0xF7A  }
0x26: {  	[smem:$0x3F9E] =	sst s1;
	(tag) =	ssettag s2;
	_ =	strace s9  }
0x27: {  	s1 =	sld [smem:$0x3FAE]  }
0x28: {  	s2 =	sld [smem:$0x3FAF]  }
0x29: {  	s4 =	sld [smem:$0x3FB1]  }
0x2a: {  	p0 =	seq.s32 s5, $0x0;
	s5 =	sld [smem:$0x3FB2]  }
0x2b: {  	s6 =	sld [smem:$0x3FB3]  }
0x2c: {  	s7 =	sld [smem:$0x3FB4]  }
0x2d: {  	s3 =	simm.s32 $0x108;
	s8 =	sld [smem:$0x3FB5]  }
0x2e: {  	s3 =	simm.s32 @!p0 $0x1082;
	s9 =	sld [smem:$0x3FB6]  }
0x2f: {  	lr =	sadd.s32 s0, s3;
	s0 =	sld [smem:$0x3FAD]  }
0x30: {  	s3 =	sld [smem:$0x3FB0]  }
0x31: {  	[smem:$0x3FB9] =	sst s10  }
0x32: {  	s10 =	sld [smem:$0x3FB7];
	_ =	sdelay $0x3  }
0x33: {  	p0 =	seq.s32 s10, $0x1;
	s10 =	sld [smem:$0x3FB9];
	_ =	sdelay $0x3  }
0x34: {  	[smem:$0x3FB9] =	sst s10  }
0x35: {  	s10 =	sld [smem:$0x3FB8];
	_ =	sdelay $0x3  }
0x36: {  	p1 =	seq.s32 s10, $0x1;
	s10 =	sld [smem:$0x3FB9];
	_ =	sdelay $0x3  }
0x37: {  	[smem:$0x3FB9] =	sst s10  }
0x38: {  	s10 =	sld [smem:$0x3FBA]  }
0x39: {  	_ = 	snop;
	(pc) =	sbr.ind lr, $3  }
0x3a: {  	_ = 	snop  }
0x3b: {  	_ = 	snop  }
0x3c: {  	p2 =	seq.s32 s10, $0x1;
	s10 =	sld [smem:$0x3FB9]  }
0x3d: {  	_ =	shalt  }
0x3e: {  	_ =	shalt  }
0x3f: {  	_ =	shalt  }
0x40: {  	_ =	shalt  }
0x41: {  	_ =	shalt  }
0x42: {  	_ =	shalt  }
0x43: {  	_ =	shalt  }
0x44: {  	_ =	shalt  }
0x45: {  	_ =	shalt  }
0x46: {  	_ =	shalt  }
0x47: {  	_ =	shalt  }
0x48: {  	_ =	shalt  }
0x49: {  	_ =	shalt  }
0x4a: {  	_ =	shalt  }
0x4b: {  	_ =	shalt  }
0x4c: {  	_ =	shalt  }
0x4d: {  	_ =	shalt  }
0x4e: {  	_ =	shalt  }
0x4f: {  	_ =	shalt  }
0x50: {  	_ =	shalt  }
0x51: {  	_ =	shalt  }
0x52: {  	_ =	shalt  }
0x53: {  	_ =	shalt  }
0x54: {  	_ =	shalt  }
0x55: {  	_ =	shalt  }
0x56: {  	_ =	shalt  }
0x57: {  	_ =	shalt  }
0x58: {  	_ =	shalt  }
0x59: {  	_ =	shalt  }
0x5a: {  	_ =	shalt  }
0x5b: {  	_ =	shalt  }
0x5c: {  	_ =	shalt  }
0x5d: {  	_ =	shalt  }
0x5e: {  	_ =	shalt  }
0x5f: {  	_ =	shalt  }
0x60: {  	_ =	shalt  }
0x61: {  	_ =	shalt  }
0x62: {  	_ =	shalt  }
0x63: {  	_ =	shalt  }
0x64: {  	_ =	shalt  }
0x65: {  	_ =	shalt  }
0x66: {  	_ =	shalt  }
0x67: {  	_ =	shalt  }
0x68: {  	_ =	shalt  }
0x69: {  	_ =	shalt  }
0x6a: {  	_ =	shalt  }
0x6b: {  	_ =	shalt  }
0x6c: {  	_ =	shalt  }
0x6d: {  	_ =	shalt  }
0x6e: {  	_ =	shalt  }
0x6f: {  	_ =	shalt  }
0x70: {  	_ =	shalt  }
0x71: {  	_ =	shalt  }
0x72: {  	_ =	shalt  }
0x73: {  	_ =	shalt  }
0x74: {  	_ =	shalt  }
0x75: {  	_ =	shalt  }
0x76: {  	_ =	shalt  }
0x77: {  	_ =	shalt  }
0x78: {  	_ =	shalt  }
0x79: {  	_ =	shalt  }
0x7a: {  	_ =	shalt  }
0x7b: {  	_ =	shalt  }
0x7c: {  	_ =	shalt  }
0x7d: {  	_ =	shalt  }
0x7e: {  	_ =	shalt  }
0x7f: {  	_ =	shalt  }
0x80: {  	_ =	shalt  }
0x81: {  	_ =	shalt  }
0x82: {  	_ =	shalt  }
0x83: {  	_ =	shalt  }
0x84: {  	_ =	shalt  }
0x85: {  	_ =	shalt  }
0x86: {  	_ =	shalt  }
0x87: {  	_ =	shalt  }
.Lfunc_end0:
.L_simem_size_0:
called_computation_lowered:
.L_overlay_start_0:
0x88: {  	s2 =	sld [smem:$0x3FD9]  }
0x89: {  	s3 =	sld [smem:$0x3FFE];
	_ =	sdelay $0x1  }
0x8a: {  	s1 =	srdreg.scid  }
0x8b: {  	s0 =	sand.u32 $0x1, s1  }
0x8c: {  	s18 =	sshll.u32 s0, $0xA;
	s2 =	sadd.s32 s3, s2  }
0x8d: {  	s2 =	sadd.s32 s2, s18  }
0x8e: {  	[smem:$0x3FC5] =	sst s2  }
0x8f: {  	_ = 	snop  }
0x90: {  	s2 =	sld [smem:$0x3FC9]  }
0x91: {  	s19 =	sld [smem:$0x3FC8]  }
0x92: {  	s4 =	sld [smem:$0x3FC7]  }
0x93: {  	s5 =	sld [smem:$0x3FD0];
	(tm) =	ssettm $0x1  }
0x94: {  	s6 =	sld [smem:$0x3FFB];
	_ =	sdelay $0x3  }
0x95: {  	_ =	strace s6  }
0x96: {  	s6 =	sld [smem:$0x3FFC];
	_ =	sdelay $0x3  }
0x97: {  	_ =	strace s6  }
0x98: {  	s6 =	sld [smem:$0x3FFD];
	_ =	sdelay $0x3  }
0x99: {  	_ =	strace s6  }
0x9a: {  	_ =	strace $0x8FFFFFFF  }
0x9b: {  	s20 =	sld [smem:$0x3FDB];
	_ =	sdelay $0x1  }
0x9c: {  	s7 =	simm.s32 $_scs_section_size  }
0x9d: {  	s8 =	simm.s32 $_size__tile_overlayer_lowered;
	s9 =	simm.s32 $_tile_overlayer_lowered  }
0x9e: {  	s23 =	simm.s32 $0x1BFF;
	s22 =	sshll.u32 s9, $0x1;
	s6 =	sadd.s32 s7, s20  }
0x9f: {  	s10 =	simm.s32 $0x0;
	s21 =	sshll.u32 s8, $0x1;
	s8 =	sadd.s32 s22, s6  }
0xa0: {  	[timem:s10], [sflag:s23] =	dma.local [hbm:s8], s21  }
0xa1: {  	_ =	swait.ge [sflag:s23], s21  }
0xa2: {  	s7 =	ssub.s32 $0x0, s21;
	[sflag:s23] =	ssyncset.done $0x0  }
0xa3: {  	[sflag:s23] =	ssyncadd.s32 s7;
	_ =	sdelay $0x1  }
0xa4: {  	s24 =	simm.s32 $0x1B8B  }
0xa5: {  	_ =	swait.ge [sflag:s24], $0x1  }
0xa6: {  	[sflag:s24] =	ssyncset.done $0x0  }
0xa7: {  	s25 =	simm.s32 $0x1B8E;
	[sflag:s24] =	ssyncadd.s32 $0xFFFFFFFF  }
0xa8: {  	s26 =	simm.s32 $execute0_lowered;
	[smem:$0x3FD2] =	sst s25  }
0xa9: {  	s7 =	sshll.u32 s26, $0x1;
	_ =	strace $0x80000046;
	[dreg:$0x1] =	wrdreg $0xFFFFFFFF  }
0xaa: {  	s28 =	simm.s32 $_size_execute0_lowered;
	s6 =	sadd.s32 s6, s7;
	[dreg:$0x0] =	wrdreg $0x0  }
0xab: {  	s7 =	sshll.u32 s28, $0x1;
	[dreg:$0x2] =	wrdreg s6  }
0xac: {  	[dreg:$0x3] =	wrdreg s7  }
0xad: {  	[dreg:$0x4] =	wrdreg $0xC0  }
0xae: {  	_ =	task [dreg:s10], $0x5FFFF  }
0xaf: {  	[dreg:$0x1] =	wrdreg $0xFFFFFFFF  }
0xb0: {  	[dreg:$0x0] =	wrdreg $0x60  }
0xb1: {  	[dreg:$0x2] =	wrdreg s2  }
0xb2: {  	[dreg:$0x3] =	wrdreg s19  }
0xb3: {  	[dreg:$0x4] =	wrdreg s4  }
0xb4: {  	[dreg:$0x5] =	wrdreg s5  }
0xb5: {  	[dreg:$0x6] =	wrdreg $0x9  }
0xb6: {  	_ =	task.clear_ibuf [dreg:s10], $0x7FFFF;
	_ =	strace $0x90000046  }
0xb7: {  	s29 =	simm.s32 $0x9;
	_ =	strace $0x80000048  }
0xb8: {  	_ =	swait.ge [sflag:s29], $0x1  }
0xb9: {  	[sflag:s29] =	ssyncadd.s32 $0xFFFFFFFF  }
0xba: {  	_ =	strace $0x90000048  }
0xbb: {  	_ =	sfence  }
0xbc: {  	s30 =	sld [smem:$0x0];
	_ =	sdelay $0x2  }
0xbd: {  	s31 =	sshll.u32 s1, $0xD;
	s1 =	sshrl.u32 s1, $0x2  }
0xbe: {  	s3 =	sand.u32 $0x4000, s31;
	s1 =	sadd.s32 s1, s30  }
0xbf: {  	s0 =	sor.u32 s3, s0;
	s1 =	sshll.u32 s1, $0x11  }
0xc0: {  	s0 =	sor.u32 s1, s0  }
0xc1: {  	s0 =	sadd.s32 $0x8F2B, s0  }
0xc2: {  	[sflag:s0] =	ssyncadd.remote.s32 $0x1  }
0xc3: {  	_ =	sfence.sel $0xFFFF  }
0xc4: {  	[dreg:$0x0] =	wrdreg $0xFFFFFFFF;
	(pc) =	sbr.abs _section_cstart, $3  }
0xc5: {  	[dreg:$0x1] =	wrdreg $0xFFFFFFFF  }
0xc6: {  	_ =	task.clear_ibuf [dreg:s10], $0x2FFFF;
	_ =	strace $0x9FFFFFFF  }
0xc7: {  	(tm) =	ssettm $0x7FFFFFFF  }
tec
execute0_lowered:
.L_overlay_start_1:
0x0: {  	(tag) =	ssettag $0x1  }
0x1: {  	s1 =	rddreg [dreg:$0x0]  }
0x2: {  	s7 =	rddreg [dreg:$0x1]  }
0x3: {  	s2 =	rddreg [dreg:$0x2]  }
0x4: {  	s10 =	rddreg [dreg:$0x3];
	s3 =	simm.s32 $0x0  }
0x5: {  	[smem:$0x7FF] =	sst s3  }
0x6: {  	s0 =	rddreg [dreg:$0x4];
	s5 =	simm.s32 $0x1;
	_ =	strace $0x80000047  }
0x7: {  	[tilespmem:s3], [sflag:$0x1] =	stream.linear.gather [hbm4b:s1+s3], $0x80, $0x38;
	[tilespmem:$0x580] =	vst v63  }
0x8: {  	_ =	swait.ge [sflag:s5], $0x80  }
0x9: {  	s6 =	srdreg.scid;
	s4 =	stileid.u32;
	[sflag:s5] =	ssyncset.done $0x0  }
0xa: {  	s11 =	sand.u32 $0x1, s6;
	s6 =	simm.s32 $0x80;
	[sflag:s5] =	ssyncadd.s32 $0xFFFFFF80  }
0xb: {  	[tilespmem:s6], [sflag:$0x1] =	stream.linear.gather [hbm4b:s2+s3], $0x80, $0x38;
	[tilespmem:$0x580] =	vst v63  }
0xc: {  	s8 =	sshll.u32 s4, $0x7;
	s9 =	sshll.u32 s11, $0x6;
	_ =	swait.ge [sflag:s5], $0x80  }
0xd: {  	s12 =	sor.u32 s9, s8;
	[sflag:s5] =	ssyncset.done $0x0  }
0xe: {  	s8 =	simm.s32 $0x180;
	s7 =	sadd.s32 s7, s12;
	[sflag:s5] =	ssyncadd.s32 $0xFFFFFF80  }
0xf: {  	[tilespmem:s8], [sflag:$0x1] =	stream.linear.gather [hbm4b:s7+s3], $0x200, $0x38;
	[tilespmem:$0x580] =	vst v63  }
0x10: {  	_ =	swait.ge [sflag:s5], $0x200  }
0x11: {  	[sflag:s5] =	ssyncset.done $0x0  }
0x12: {  	[sflag:s5] =	ssyncadd.s32 $0xFFFFFE00  }
0x13: {  	v0 =	vld [tilespmem:$0x80];
	_ =	sdelay $0x5  }
0x14: {  	v1 =	vld [tilespmem:$0x90];
	_ =	sdelay $0x1  }
0x15: {  	v0 =	vld.idx.msk [tilespmem:v0+s3+$0x0], $0xffff;
	_ =	sdelay $0x3  }
0x16: {  	v2 =	vld [tilespmem:$0xA0]  }
0x17: {  	[tilespmem:$0x100] =	vst v0  }
0x18: {  	v0 =	vld.idx.msk [tilespmem:v1+s3+$0x0], $0xffff;
	_ =	sdelay $0x3  }
0x19: {  	v27 =	vld [tilespmem:$0xB0]  }
0x1a: {  	[tilespmem:$0x110] =	vst v0  }
0x1b: {  	v0 =	vld.idx.msk [tilespmem:v2+s3+$0x0], $0xffff;
	_ =	sdelay $0x3  }
0x1c: {  	v28 =	vld [tilespmem:$0xC0]  }
0x1d: {  	[tilespmem:$0x120] =	vst v0  }
0x1e: {  	v0 =	vld.idx.msk [tilespmem:v27+s3+$0x0], $0xffff;
	_ =	sdelay $0x3  }
0x1f: {  	v29 =	vld [tilespmem:$0xD0]  }
0x20: {  	[tilespmem:$0x130] =	vst v0  }
0x21: {  	v0 =	vld.idx.msk [tilespmem:v28+s3+$0x0], $0xffff;
	_ =	sdelay $0x3  }
0x22: {  	v30 =	vld [tilespmem:$0xE0]  }
0x23: {  	[tilespmem:$0x140] =	vst v0  }
0x24: {  	v0 =	vld.idx.msk [tilespmem:v29+s3+$0x0], $0xffff;
	_ =	sdelay $0x3  }
0x25: {  	v31 =	vld [tilespmem:$0xF0]  }
0x26: {  	[tilespmem:$0x150] =	vst v0  }
0x27: {  	v0 =	vld.idx.msk [tilespmem:v30+s3+$0x0], $0xffff;
	_ =	sdelay $0x3  }
0x28: {  	v32 =	vld [tilespmem:$0x180]  }
0x29: {  	[tilespmem:$0x160] =	vst v0  }
0x2a: {  	v0 =	vld.idx.msk [tilespmem:v31+s3+$0x0], $0xffff;
	_ =	sdelay $0x3  }
0x2b: {  	v33 =	vld [tilespmem:$0x190]  }
0x2c: {  	s9 =	simm.s32 $0x100;
	[tilespmem:$0x170] =	vst v0  }
0x2d: {  	v0 =	vld.idx.msk [tilespmem:v32+s9+$0x0], $0xffff;
	_ =	sdelay $0x3  }
0x2e: {  	v34 =	vld [tilespmem:$0x1A0]  }
0x2f: {  	[tilespmem:$0x380] =	vst v0  }
0x30: {  	v0 =	vld.idx.msk [tilespmem:v33+s9+$0x0], $0xffff;
	_ =	sdelay $0x3  }
0x31: {  	v35 =	vld [tilespmem:$0x1B0]  }
0x32: {  	[tilespmem:$0x390] =	vst v0  }
0x33: {  	v0 =	vld.idx.msk [tilespmem:v34+s9+$0x0], $0xffff;
	_ =	sdelay $0x3  }
0x34: {  	v36 =	vld [tilespmem:$0x1C0]  }
0x35: {  	[tilespmem:$0x3A0] =	vst v0  }
0x36: {  	v0 =	vld.idx.msk [tilespmem:v35+s9+$0x0], $0xffff;
	_ =	sdelay $0x3  }
0x37: {  	v37 =	vld [tilespmem:$0x1D0]  }
0x38: {  	[tilespmem:$0x3B0] =	vst v0  }
0x39: {  	v0 =	vld.idx.msk [tilespmem:v36+s9+$0x0], $0xffff;
	_ =	sdelay $0x3  }
0x3a: {  	v38 =	vld [tilespmem:$0x1E0]  }
0x3b: {  	[tilespmem:$0x3C0] =	vst v0  }
0x3c: {  	v0 =	vld.idx.msk [tilespmem:v37+s9+$0x0], $0xffff;
	_ =	sdelay $0x3  }
0x3d: {  	v39 =	vld [tilespmem:$0x1F0]  }
0x3e: {  	[tilespmem:$0x3D0] =	vst v0  }
0x3f: {  	v0 =	vld.idx.msk [tilespmem:v38+s9+$0x0], $0xffff;
	_ =	sdelay $0x3  }
0x40: {  	v40 =	vld [tilespmem:$0x200]  }
0x41: {  	[tilespmem:$0x3E0] =	vst v0  }
0x42: {  	v0 =	vld.idx.msk [tilespmem:v39+s9+$0x0], $0xffff;
	_ =	sdelay $0x3  }
0x43: {  	v41 =	vld [tilespmem:$0x210]  }
0x44: {  	[tilespmem:$0x3F0] =	vst v0  }
0x45: {  	v0 =	vld.idx.msk [tilespmem:v40+s9+$0x0], $0xffff;
	_ =	sdelay $0x3  }
0x46: {  	v42 =	vld [tilespmem:$0x220]  }
0x47: {  	[tilespmem:$0x400] =	vst v0  }
0x48: {  	v0 =	vld.idx.msk [tilespmem:v41+s9+$0x0], $0xffff;
	_ =	sdelay $0x3  }
0x49: {  	v43 =	vld [tilespmem:$0x230]  }
0x4a: {  	[tilespmem:$0x410] =	vst v0  }
0x4b: {  	v0 =	vld.idx.msk [tilespmem:v42+s9+$0x0], $0xffff;
	_ =	sdelay $0x3  }
0x4c: {  	v44 =	vld [tilespmem:$0x240]  }
0x4d: {  	[tilespmem:$0x420] =	vst v0  }
0x4e: {  	v0 =	vld.idx.msk [tilespmem:v43+s9+$0x0], $0xffff;
	_ =	sdelay $0x3  }
0x4f: {  	v45 =	vld [tilespmem:$0x250]  }
0x50: {  	[tilespmem:$0x430] =	vst v0  }
0x51: {  	v0 =	vld.idx.msk [tilespmem:v44+s9+$0x0], $0xffff;
	_ =	sdelay $0x3  }
0x52: {  	v46 =	vld [tilespmem:$0x260]  }
0x53: {  	[tilespmem:$0x440] =	vst v0  }
0x54: {  	v0 =	vld.idx.msk [tilespmem:v45+s9+$0x0], $0xffff;
	_ =	sdelay $0x3  }
0x55: {  	v47 =	vld [tilespmem:$0x270]  }
0x56: {  	[tilespmem:$0x450] =	vst v0  }
0x57: {  	v0 =	vld.idx.msk [tilespmem:v46+s9+$0x0], $0xffff;
	_ =	sdelay $0x3  }
0x58: {  	v48 =	vld [tilespmem:$0x280]  }
0x59: {  	[tilespmem:$0x460] =	vst v0  }
0x5a: {  	v0 =	vld.idx.msk [tilespmem:v47+s9+$0x0], $0xffff;
	_ =	sdelay $0x3  }
0x5b: {  	v49 =	vld [tilespmem:$0x290]  }
0x5c: {  	[tilespmem:$0x470] =	vst v0  }
0x5d: {  	v0 =	vld.idx.msk [tilespmem:v48+s9+$0x0], $0xffff;
	_ =	sdelay $0x3  }
0x5e: {  	v50 =	vld [tilespmem:$0x2A0]  }
0x5f: {  	[tilespmem:$0x480] =	vst v0  }
0x60: {  	v0 =	vld.idx.msk [tilespmem:v49+s9+$0x0], $0xffff;
	_ =	sdelay $0x3  }
0x61: {  	v51 =	vld [tilespmem:$0x2B0]  }
0x62: {  	[tilespmem:$0x490] =	vst v0  }
0x63: {  	v0 =	vld.idx.msk [tilespmem:v50+s9+$0x0], $0xffff;
	_ =	sdelay $0x3  }
0x64: {  	v52 =	vld [tilespmem:$0x2C0]  }
0x65: {  	[tilespmem:$0x4A0] =	vst v0  }
0x66: {  	v0 =	vld.idx.msk [tilespmem:v51+s9+$0x0], $0xffff;
	_ =	sdelay $0x3  }
0x67: {  	v53 =	vld [tilespmem:$0x2D0]  }
0x68: {  	[tilespmem:$0x4B0] =	vst v0  }
0x69: {  	v0 =	vld.idx.msk [tilespmem:v52+s9+$0x0], $0xffff;
	_ =	sdelay $0x3  }
0x6a: {  	v54 =	vld [tilespmem:$0x2E0]  }
0x6b: {  	[tilespmem:$0x4C0] =	vst v0  }
0x6c: {  	v0 =	vld.idx.msk [tilespmem:v53+s9+$0x0], $0xffff;
	_ =	sdelay $0x3  }
0x6d: {  	v55 =	vld [tilespmem:$0x2F0]  }
0x6e: {  	[tilespmem:$0x4D0] =	vst v0  }
0x6f: {  	v0 =	vld.idx.msk [tilespmem:v54+s9+$0x0], $0xffff;
	_ =	sdelay $0x3  }
0x70: {  	v56 =	vld [tilespmem:$0x300]  }
0x71: {  	[tilespmem:$0x4E0] =	vst v0  }
0x72: {  	v0 =	vld.idx.msk [tilespmem:v55+s9+$0x0], $0xffff;
	_ =	sdelay $0x3  }
0x73: {  	v57 =	vld [tilespmem:$0x310]  }
0x74: {  	[tilespmem:$0x4F0] =	vst v0  }
0x75: {  	v0 =	vld.idx.msk [tilespmem:v56+s9+$0x0], $0xffff;
	_ =	sdelay $0x3  }
0x76: {  	v58 =	vld [tilespmem:$0x320]  }
0x77: {  	[tilespmem:$0x500] =	vst v0  }
0x78: {  	v0 =	vld.idx.msk [tilespmem:v57+s9+$0x0], $0xffff;
	_ =	sdelay $0x3  }
0x79: {  	v59 =	vld [tilespmem:$0x330]  }
0x7a: {  	[tilespmem:$0x510] =	vst v0  }
0x7b: {  	v0 =	vld.idx.msk [tilespmem:v58+s9+$0x0], $0xffff;
	_ =	sdelay $0x3  }
0x7c: {  	v60 =	vld [tilespmem:$0x340]  }
0x7d: {  	[tilespmem:$0x520] =	vst v0  }
0x7e: {  	v0 =	vld.idx.msk [tilespmem:v59+s9+$0x0], $0xffff;
	_ =	sdelay $0x3  }
0x7f: {  	v61 =	vld [tilespmem:$0x350]  }
0x80: {  	[tilespmem:$0x530] =	vst v0  }
0x81: {  	v0 =	vld.idx.msk [tilespmem:v60+s9+$0x0], $0xffff;
	_ =	sdelay $0x3  }
0x82: {  	v62 =	vld [tilespmem:$0x360]  }
0x83: {  	[tilespmem:$0x540] =	vst v0  }
0x84: {  	v0 =	vld.idx.msk [tilespmem:v61+s9+$0x0], $0xffff;
	_ =	sdelay $0x3  }
0x85: {  	v63 =	vld [tilespmem:$0x370]  }
0x86: {  	[tilespmem:$0x550] =	vst v0  }
0x87: {  	v0 =	vld.idx.msk [tilespmem:v62+s9+$0x0], $0xffff;
	_ =	sdelay $0x4  }
0x88: {  	s11 =	ssub.s32 $0x2, s11;
	[tilespmem:$0x560] =	vst v0  }
0x89: {  	s13 =	sshrl.u32 s11, $0x1;
	v0 =	vld.idx.msk [tilespmem:v63+s9+$0x0], $0xffff  }
0x8a: {  	s11 =	ssub.s32 s11, s13  }
0x8b: {  	s31 =	smax.u32 s11, $0x1  }
0x8c: {  	p0 =	sne.s32 s31, $0x1  }
.Ltmp0:
0x8d: {  	_ = 	snop;
	(pc) =	sbr.rel @!p0 .LBB2_2-.Ltmp0, $4  }
0x8e: {  	s10 =	sadd.s32 s10, s12;
	s11 =	simm.s32 $0x380;
	[tilespmem:$0x570] =	vst v0  }
0x8f: {  	[hbm4b:s10+s3] =	stream.linear.scatter [tilespmem:s11], [sflag:$0x1], $0x200, $0x38;
	[tilespmem:$0x580] =	vst v63  }
0x90: {  	_ =	swait.ge [sflag:s5], $0x200  }
0x91: {  	s12 =	sadd.s32 $0xFFFFFFFF, s31;
	[sflag:s5] =	ssyncset.done $0x0  }
.LBB2_1:
0x92: {  	p0 =	sne.s32 s12, $0x1;
	s12 =	sadd.s32 $0xFFFFFFFF, s12;
	[sflag:s5] =	ssyncadd.s32 $0xFFFFFE00  }
0x93: {  	[tilespmem:s3], [sflag:$0x1] =	stream.linear.gather [hbm4b:s1+s3], $0x80, $0x38;
	[tilespmem:$0x580] =	vst v63  }
0x94: {  	_ =	swait.ge [sflag:s5], $0x80  }
0x95: {  	[sflag:s5] =	ssyncset.done $0x0  }
0x96: {  	[sflag:s5] =	ssyncadd.s32 $0xFFFFFF80  }
0x97: {  	[tilespmem:s6], [sflag:$0x1] =	stream.linear.gather [hbm4b:s2+s3], $0x80, $0x38;
	[tilespmem:$0x580] =	vst v63  }
0x98: {  	_ =	swait.ge [sflag:s5], $0x80  }
0x99: {  	[sflag:s5] =	ssyncset.done $0x0  }
0x9a: {  	[sflag:s5] =	ssyncadd.s32 $0xFFFFFF80  }
0x9b: {  	[tilespmem:s8], [sflag:$0x1] =	stream.linear.gather [hbm4b:s7+s3], $0x200, $0x38;
	[tilespmem:$0x580] =	vst v63  }
0x9c: {  	_ =	swait.ge [sflag:s5], $0x200  }
0x9d: {  	[sflag:s5] =	ssyncset.done $0x0  }
0x9e: {  	[sflag:s5] =	ssyncadd.s32 $0xFFFFFE00  }
0x9f: {  	v0 =	vld [tilespmem:$0x80];
	_ =	sdelay $0x6  }
0xa0: {  	v1 =	vld [tilespmem:$0x90]  }
0xa1: {  	v0 =	vld.idx.msk [tilespmem:v0+s3+$0x0], $0xffff;
	_ =	sdelay $0x5  }
0xa2: {  	[tilespmem:$0x100] =	vst v0;
	v0 =	vld [tilespmem:$0xA0]  }
0xa3: {  	v1 =	vld.idx.msk [tilespmem:v1+s3+$0x0], $0xffff;
	_ =	sdelay $0x5  }
0xa4: {  	[tilespmem:$0x110] =	vst v1;
	v1 =	vld [tilespmem:$0xB0]  }
0xa5: {  	v0 =	vld.idx.msk [tilespmem:v0+s3+$0x0], $0xffff;
	_ =	sdelay $0x5  }
0xa6: {  	[tilespmem:$0x120] =	vst v0;
	v0 =	vld [tilespmem:$0xC0]  }
0xa7: {  	v1 =	vld.idx.msk [tilespmem:v1+s3+$0x0], $0xffff;
	_ =	sdelay $0x5  }
0xa8: {  	[tilespmem:$0x130] =	vst v1;
	v1 =	vld [tilespmem:$0xD0]  }
0xa9: {  	v0 =	vld.idx.msk [tilespmem:v0+s3+$0x0], $0xffff;
	_ =	sdelay $0x5  }
0xaa: {  	[tilespmem:$0x140] =	vst v0;
	v0 =	vld [tilespmem:$0xE0]  }
0xab: {  	v1 =	vld.idx.msk [tilespmem:v1+s3+$0x0], $0xffff;
	_ =	sdelay $0x5  }
0xac: {  	[tilespmem:$0x150] =	vst v1;
	v1 =	vld [tilespmem:$0xF0]  }
0xad: {  	v0 =	vld.idx.msk [tilespmem:v0+s3+$0x0], $0xffff;
	_ =	sdelay $0x5  }
0xae: {  	[tilespmem:$0x160] =	vst v0;
	v0 =	vld [tilespmem:$0x180]  }
0xaf: {  	v1 =	vld.idx.msk [tilespmem:v1+s3+$0x0], $0xffff;
	_ =	sdelay $0x5  }
0xb0: {  	[tilespmem:$0x170] =	vst v1;
	v1 =	vld [tilespmem:$0x190]  }
0xb1: {  	v0 =	vld.idx.msk [tilespmem:v0+s9+$0x0], $0xffff;
	_ =	sdelay $0x5  }
0xb2: {  	[tilespmem:$0x380] =	vst v0;
	v0 =	vld [tilespmem:$0x1A0]  }
0xb3: {  	v1 =	vld.idx.msk [tilespmem:v1+s9+$0x0], $0xffff;
	_ =	sdelay $0x5  }
0xb4: {  	[tilespmem:$0x390] =	vst v1;
	v1 =	vld [tilespmem:$0x1B0]  }
0xb5: {  	v0 =	vld.idx.msk [tilespmem:v0+s9+$0x0], $0xffff;
	_ =	sdelay $0x5  }
0xb6: {  	[tilespmem:$0x3A0] =	vst v0;
	v0 =	vld [tilespmem:$0x1C0]  }
0xb7: {  	v1 =	vld.idx.msk [tilespmem:v1+s9+$0x0], $0xffff;
	_ =	sdelay $0x5  }
0xb8: {  	[tilespmem:$0x3B0] =	vst v1;
	v1 =	vld [tilespmem:$0x1D0]  }
0xb9: {  	v0 =	vld.idx.msk [tilespmem:v0+s9+$0x0], $0xffff;
	_ =	sdelay $0x5  }
0xba: {  	[tilespmem:$0x3C0] =	vst v0;
	v0 =	vld [tilespmem:$0x1E0]  }
0xbb: {  	v1 =	vld.idx.msk [tilespmem:v1+s9+$0x0], $0xffff;
	_ =	sdelay $0x5  }
0xbc: {  	[tilespmem:$0x3D0] =	vst v1;
	v1 =	vld [tilespmem:$0x1F0]  }
0xbd: {  	v0 =	vld.idx.msk [tilespmem:v0+s9+$0x0], $0xffff;
	_ =	sdelay $0x5  }
0xbe: {  	[tilespmem:$0x3E0] =	vst v0;
	v0 =	vld [tilespmem:$0x200]  }
0xbf: {  	v1 =	vld.idx.msk [tilespmem:v1+s9+$0x0], $0xffff;
	_ =	sdelay $0x5  }
0xc0: {  	[tilespmem:$0x3F0] =	vst v1;
	v1 =	vld [tilespmem:$0x210]  }
0xc1: {  	v0 =	vld.idx.msk [tilespmem:v0+s9+$0x0], $0xffff;
	_ =	sdelay $0x5  }
0xc2: {  	[tilespmem:$0x400] =	vst v0;
	v0 =	vld [tilespmem:$0x220]  }
0xc3: {  	v1 =	vld.idx.msk [tilespmem:v1+s9+$0x0], $0xffff;
	_ =	sdelay $0x5  }
0xc4: {  	[tilespmem:$0x410] =	vst v1;
	v1 =	vld [tilespmem:$0x230]  }
0xc5: {  	v0 =	vld.idx.msk [tilespmem:v0+s9+$0x0], $0xffff;
	_ =	sdelay $0x5  }
0xc6: {  	[tilespmem:$0x420] =	vst v0;
	v0 =	vld [tilespmem:$0x240]  }
0xc7: {  	v1 =	vld.idx.msk [tilespmem:v1+s9+$0x0], $0xffff;
	_ =	sdelay $0x5  }
0xc8: {  	[tilespmem:$0x430] =	vst v1;
	v1 =	vld [tilespmem:$0x250]  }
0xc9: {  	v0 =	vld.idx.msk [tilespmem:v0+s9+$0x0], $0xffff;
	_ =	sdelay $0x5  }
0xca: {  	[tilespmem:$0x440] =	vst v0;
	v0 =	vld [tilespmem:$0x260]  }
0xcb: {  	v1 =	vld.idx.msk [tilespmem:v1+s9+$0x0], $0xffff;
	_ =	sdelay $0x5  }
0xcc: {  	[tilespmem:$0x450] =	vst v1;
	v1 =	vld [tilespmem:$0x270]  }
0xcd: {  	v0 =	vld.idx.msk [tilespmem:v0+s9+$0x0], $0xffff;
	_ =	sdelay $0x5  }
0xce: {  	[tilespmem:$0x460] =	vst v0;
	v0 =	vld [tilespmem:$0x280]  }
0xcf: {  	v1 =	vld.idx.msk [tilespmem:v1+s9+$0x0], $0xffff;
	_ =	sdelay $0x5  }
0xd0: {  	[tilespmem:$0x470] =	vst v1;
	v1 =	vld [tilespmem:$0x290]  }
0xd1: {  	v0 =	vld.idx.msk [tilespmem:v0+s9+$0x0], $0xffff;
	_ =	sdelay $0x5  }
0xd2: {  	[tilespmem:$0x480] =	vst v0;
	v0 =	vld [tilespmem:$0x2A0]  }
0xd3: {  	v1 =	vld.idx.msk [tilespmem:v1+s9+$0x0], $0xffff;
	_ =	sdelay $0x5  }
0xd4: {  	[tilespmem:$0x490] =	vst v1;
	v1 =	vld [tilespmem:$0x2B0]  }
0xd5: {  	v0 =	vld.idx.msk [tilespmem:v0+s9+$0x0], $0xffff;
	_ =	sdelay $0x5  }
0xd6: {  	[tilespmem:$0x4A0] =	vst v0;
	v0 =	vld [tilespmem:$0x2C0]  }
0xd7: {  	v1 =	vld.idx.msk [tilespmem:v1+s9+$0x0], $0xffff;
	_ =	sdelay $0x5  }
0xd8: {  	[tilespmem:$0x4B0] =	vst v1;
	v1 =	vld [tilespmem:$0x2D0]  }
0xd9: {  	v0 =	vld.idx.msk [tilespmem:v0+s9+$0x0], $0xffff;
	_ =	sdelay $0x5  }
0xda: {  	[tilespmem:$0x4C0] =	vst v0;
	v0 =	vld [tilespmem:$0x2E0]  }
0xdb: {  	v1 =	vld.idx.msk [tilespmem:v1+s9+$0x0], $0xffff;
	_ =	sdelay $0x5  }
0xdc: {  	[tilespmem:$0x4D0] =	vst v1;
	v1 =	vld [tilespmem:$0x2F0]  }
0xdd: {  	v0 =	vld.idx.msk [tilespmem:v0+s9+$0x0], $0xffff;
	_ =	sdelay $0x5  }
0xde: {  	[tilespmem:$0x4E0] =	vst v0;
	v0 =	vld [tilespmem:$0x300]  }
0xdf: {  	v1 =	vld.idx.msk [tilespmem:v1+s9+$0x0], $0xffff;
	_ =	sdelay $0x5  }
0xe0: {  	[tilespmem:$0x4F0] =	vst v1;
	v1 =	vld [tilespmem:$0x310]  }
0xe1: {  	v0 =	vld.idx.msk [tilespmem:v0+s9+$0x0], $0xffff;
	_ =	sdelay $0x5  }
0xe2: {  	[tilespmem:$0x500] =	vst v0;
	v0 =	vld [tilespmem:$0x320]  }
0xe3: {  	v1 =	vld.idx.msk [tilespmem:v1+s9+$0x0], $0xffff;
	_ =	sdelay $0x5  }
0xe4: {  	[tilespmem:$0x510] =	vst v1;
	v1 =	vld [tilespmem:$0x330]  }
0xe5: {  	v0 =	vld.idx.msk [tilespmem:v0+s9+$0x0], $0xffff;
	_ =	sdelay $0x5  }
0xe6: {  	[tilespmem:$0x520] =	vst v0;
	v0 =	vld [tilespmem:$0x340]  }
0xe7: {  	v1 =	vld.idx.msk [tilespmem:v1+s9+$0x0], $0xffff;
	_ =	sdelay $0x5  }
0xe8: {  	[tilespmem:$0x530] =	vst v1;
	v1 =	vld [tilespmem:$0x350]  }
0xe9: {  	v0 =	vld.idx.msk [tilespmem:v0+s9+$0x0], $0xffff;
	_ =	sdelay $0x5  }
0xea: {  	[tilespmem:$0x540] =	vst v0;
	v0 =	vld [tilespmem:$0x360]  }
0xeb: {  	v1 =	vld.idx.msk [tilespmem:v1+s9+$0x0], $0xffff;
	_ =	sdelay $0x5  }
0xec: {  	[tilespmem:$0x550] =	vst v1;
	v1 =	vld [tilespmem:$0x370]  }
0xed: {  	v0 =	vld.idx.msk [tilespmem:v0+s9+$0x0], $0xffff;
	_ =	sdelay $0x5  }
0xee: {  	[tilespmem:$0x560] =	vst v0  }
0xef: {  	v0 =	vld.idx.msk [tilespmem:v1+s9+$0x0], $0xffff;
	_ =	sdelay $0x4  }
.Ltmp1:
0xf0: {  	(pc) =	sbr.rel @p0 .LBB2_1-.Ltmp1, $4  }
0xf1: {  	[tilespmem:$0x570] =	vst v0  }
0xf2: {  	[hbm4b:s10+s3] =	stream.linear.scatter [tilespmem:s11], [sflag:$0x1], $0x200, $0x38;
	[tilespmem:$0x580] =	vst v63  }
0xf3: {  	_ =	swait.ge [sflag:s5], $0x200  }
0xf4: {  	[sflag:s5] =	ssyncset.done $0x0  }
.LBB2_2:
0xf5: {  	[sflag:s5] =	ssyncadd.s32 $0xFFFFFE00  }
0xf6: {  	_ =	sfence.sel $0x180000  }
0xf7: {  	[bflag:$0x0] =	sbarrier.arrive $0xFFFF  }
0xf8: {  	p0 =	sne.s32 s4, $0x0;
	_ =	strace $0x90000047  }
0xf9: {  	s0 =	sadd.s32 @!p0 $0x100000, s0;
	[bflag:$0x2] =	sbarrier.arrive $0xFFFF  }
0xfa: {  	[sflag:s0] =	ssyncadd.tile.s32 @!p0 $0x1;
	_ =	shalt  }
.Lfunc_end2:
_tile_overlayer_lowered:
.L_overlay_start_2:
0xfb: {  	(tag) =	ssettag $0x2  }
0xfc: {  	s0 =	rddreg [dreg:$0x0];
	s2 =	stileid.u32  }
0xfd: {  	s1 =	rddreg [dreg:$0x1];
	p0 =	sne.s32 s2, $0x0  }
0xfe: {  	s3 =	rddreg [dreg:$0x2];
	[bflag:$0x3] =	sbarrier.arrive $0xFFFF;
	s2 =	simm.s32 @!p0 $0x1C01  }
0xff: {  	[timem:s3], [sflag:s2] =	dma.local @!p0 [hbm:s0], s1  }
0x100: {  	s0 =	simm.s32 @!p0 $0x1  }
0x101: {  	_ =	swait.ge @!p0 [sflag:s0], s1  }
0x102: {  	s1 =	ssub.s32 @!p0 $0x0, s1;
	[sflag:s0] =	ssyncset.done @!p0 $0x0  }
0x103: {  	[sflag:s0] =	ssyncadd.s32 @!p0 s1  }
0x104: {  	[bflag:$0x3] =	sbarrier.arrive $0xFFFF  }
0x105: {  	_ =	shalt  }

</sc_bundles>
